<compile_context>
chip_gen: v7x
topology: tpu7x:2x2x1
jax: 0.10.2.dev20260603
libtpu: 0.0.44.dev20260713+nightly
codegen_flags: <defaults>
</compile_context>

<pallas_src>
import jax
import jax.numpy as jnp
from jax.experimental import pallas as pl

_H = 128
_W = 128


def _gcn_block_kernel(x_ref,
                      w1_ref, b1_ref, g1_ref, be1_ref,
                      w2_ref, b2_ref, g2_ref, be2_ref,
                      w3_ref, b3_ref, g3_ref, be3_ref,
                      out_ref):
    hw_len = _H * _W
    f32 = jnp.float32

    ii3 = jax.lax.broadcasted_iota(jnp.int32, (_H, _W, 1), 0)
    jj3 = jax.lax.broadcasted_iota(jnp.int32, (_H, _W, 1), 1)
    one3 = jnp.ones((_H, _W, 1), f32)
    zero3 = jnp.zeros((_H, _W, 1), f32)
    deg_i3 = 1.0 + jnp.where(ii3 > 0, one3, zero3) + jnp.where(ii3 < _H - 1, one3, zero3)
    deg_j3 = 1.0 + jnp.where(jj3 > 0, one3, zero3) + jnp.where(jj3 < _W - 1, one3, zero3)
    dis3 = jax.lax.rsqrt(deg_i3 * deg_j3)

    lin = jax.lax.broadcasted_iota(jnp.int32, (1, hw_len), 1)
    jj = lin % _W
    ii = lin // _W
    one = jnp.ones((1, hw_len), f32)
    zero = jnp.zeros((1, hw_len), f32)
    mask_l = jnp.where(jj > 0, one, zero)
    mask_r = jnp.where(jj < _W - 1, one, zero)
    deg_i = 1.0 + jnp.where(ii > 0, one, zero) + jnp.where(ii < _H - 1, one, zero)
    deg_j = 1.0 + mask_l + mask_r
    dis_t = jax.lax.rsqrt(deg_i * deg_j)

    def box3d(t2d, c):
        t = t2d.reshape(_H, _W, c)
        zrow = jnp.zeros((1, _W, c), f32)
        si = t + jnp.concatenate([zrow, t[:-1]], axis=0) \
               + jnp.concatenate([t[1:], zrow], axis=0)
        zcol = jnp.zeros((_H, 1, c), f32)
        s = si + jnp.concatenate([zcol, si[:, :-1]], axis=1) \
               + jnp.concatenate([si[:, 1:], zcol], axis=1)
        return s.reshape(hw_len, c)

    def ln_elu_lanes(agg, g_ref, be_ref):
        mu = jnp.mean(agg, axis=1, keepdims=True)
        d = agg - mu
        var = jnp.mean(d * d, axis=1, keepdims=True)
        hn = d * jax.lax.rsqrt(var + 1e-5) * g_ref[...] + be_ref[...]
        return jnp.where(hn > 0, hn, jnp.exp(hn) - 1.0)

    def layer12(hw, b_ref, g_ref, be_ref):
        c = hw.shape[1]
        t = (hw * dis3.reshape(hw_len, 1))
        agg = dis3.reshape(hw_len, 1) * box3d(t, c) + b_ref[...]
        return ln_elu_lanes(agg, g_ref, be_ref)

    out_ref[...] = x_ref[...]


def kernel(x, edge_index, W1, b1, g1, be1, W2, b2, g2, be2, W3, b3, g3, be3):
    del edge_index
    B, C, H, W = x.shape
    hw_len = H * W
    xr = x.reshape(B, C, hw_len)

    img_spec = pl.BlockSpec((None, C, hw_len), lambda b: (b, 0, 0))
    w_spec = pl.BlockSpec((C, C), lambda b: (0, 0))
    row_spec = pl.BlockSpec((1, C), lambda b: (0, 0))
    col_spec = pl.BlockSpec((C, 1), lambda b: (0, 0))

    out = pl.pallas_call(
        _gcn_block_kernel,
        grid=(B,),
        in_specs=[img_spec,
                  w_spec, row_spec, row_spec, row_spec,
                  w_spec, row_spec, row_spec, row_spec,
                  w_spec, col_spec, col_spec, col_spec],
        out_specs=img_spec,
        out_shape=jax.ShapeDtypeStruct((B, C, hw_len), x.dtype),
    )(xr,
      W1, b1[None, :], g1[None, :], be1[None, :],
      W2, b2[None, :], g2[None, :], be2[None, :],
      W3, b3[:, None], g3[:, None], be3[:, None])
    return out.reshape(B, C, H, W)

# --- scband reference (transcript-rebuilt; emitter-appended) ---
"""Pipeline reference for scband-gcnblock-32667521253438 (READ-ONLY COPY).

The authoritative reference and input builder live on the scoring server;
editing this copy changes nothing except your own understanding.
"""

import jax, jax.numpy as jnp
import numpy as np

B = 4
H = 128
W = 128
IN_CH = 128
HID_CH = 128
OUT_CH = 128


def _grid_edges(h, w):
    # Replicates torch_geometric.utils.grid: 8-neighborhood + self-loops
    idx = np.arange(h * w).reshape(h, w)
    srcs, dsts = [], []
    for di in (-1, 0, 1):
        for dj in (-1, 0, 1):
            i0, i1 = max(0, -di), min(h, h - di)
            j0, j1 = max(0, -dj), min(w, w - dj)
            s = idx[i0:i1, j0:j1]
            d = idx[i0 + di:i1 + di, j0 + dj:j1 + dj]
            srcs.append(s.ravel())
            dsts.append(d.ravel())
    return np.stack([np.concatenate(srcs), np.concatenate(dsts)], axis=0)


def setup_inputs(seed: int = 0):
    key = jax.random.key(seed)
    ks = jax.random.split(key, 4)
    x = jax.random.normal(ks[0], (B, IN_CH, H, W), dtype=jnp.float32)
    e = _grid_edges(H, W)
    e = np.concatenate([e + i * H * W for i in range(B)], axis=1)  # batch_edge_index
    edge_index = jnp.asarray(e, dtype=jnp.int32)
    W1 = jax.random.normal(ks[1], (IN_CH, HID_CH), dtype=jnp.float32) / np.sqrt(IN_CH)
    W2 = jax.random.normal(ks[2], (HID_CH, HID_CH), dtype=jnp.float32) / np.sqrt(HID_CH)
    W3 = jax.random.normal(ks[3], (HID_CH, OUT_CH), dtype=jnp.float32) / np.sqrt(HID_CH)
    return {
        'x': x,
        'edge_index': edge_index,
        'W1': W1, 'b1': jnp.zeros((HID_CH,), jnp.float32),
        'g1': jnp.ones((HID_CH,), jnp.float32), 'be1': jnp.zeros((HID_CH,), jnp.float32),
        'W2': W2, 'b2': jnp.zeros((HID_CH,), jnp.float32),
        'g2': jnp.ones((HID_CH,), jnp.float32), 'be2': jnp.zeros((HID_CH,), jnp.float32),
        'W3': W3, 'b3': jnp.zeros((OUT_CH,), jnp.float32),
        'g3': jnp.ones((OUT_CH,), jnp.float32), 'be3': jnp.zeros((OUT_CH,), jnp.float32),
    }


def _layer_norm(h, g, b):
    mu = h.mean(-1, keepdims=True)
    var = ((h - mu) ** 2).mean(-1, keepdims=True)
    return (h - mu) / jnp.sqrt(var + 1e-5) * g + b


def reference(x, edge_index, W1, b1, g1, be1, W2, b2, g2, be2, W3, b3, g3, be3):
    Bx, C, Hx, Wx = x.shape
    N = Bx * Hx * Wx
    xf = jnp.transpose(x, (0, 2, 3, 1)).reshape(N, C)
    row = edge_index[0]
    col = edge_index[1]
    # gcn_norm: self-loops already present in grid edges (add_remaining_self_loops is a no-op)
    deg = jnp.zeros((N,), xf.dtype).at[col].add(1.0)
    dis = jnp.where(deg > 0, jax.lax.rsqrt(deg), 0.0)
    norm = dis[row] * dis[col]

    def gcn(h, Wm, bv):
        hw = h @ Wm
        msg = hw[row] * norm[:, None]
        agg = jnp.zeros((N, Wm.shape[1]), h.dtype).at[col].add(msg)
        return agg + bv

    h = gcn(xf, W1, b1)
    h = jax.nn.elu(_layer_norm(h, g1, be1))
    h = gcn(h, W2, b2)
    h = jax.nn.elu(_layer_norm(h, g2, be2))
    h = gcn(h, W3, b3)
    h = jax.nn.elu(_layer_norm(h, g3, be3))
    out = jnp.transpose(h.reshape(Bx, Hx, Wx, OUT_CH), (0, 3, 1, 2))
    return out

if __name__ == "__main__":
    import jax
    _d = setup_inputs()
    print(jax.jit(kernel)(*tuple(_d.values())))

</pallas_src>

<mosaic_0001>
module attributes {stable_mosaic.version = 14 : i64} {
  func.func @_gcn_block_kernel(%arg0: i32, %arg1: memref<1x128x16384xf32, #tpu.memory_space<vmem>>, %arg2: memref<128x128xf32, #tpu.memory_space<vmem>>, %arg3: memref<1x128xf32, #tpu.memory_space<vmem>>, %arg4: memref<1x128xf32, #tpu.memory_space<vmem>>, %arg5: memref<1x128xf32, #tpu.memory_space<vmem>>, %arg6: memref<128x128xf32, #tpu.memory_space<vmem>>, %arg7: memref<1x128xf32, #tpu.memory_space<vmem>>, %arg8: memref<1x128xf32, #tpu.memory_space<vmem>>, %arg9: memref<1x128xf32, #tpu.memory_space<vmem>>, %arg10: memref<128x128xf32, #tpu.memory_space<vmem>>, %arg11: memref<128x1xf32, #tpu.memory_space<vmem>>, %arg12: memref<128x1xf32, #tpu.memory_space<vmem>>, %arg13: memref<128x1xf32, #tpu.memory_space<vmem>>, %arg14: memref<1x128x16384xf32, #tpu.memory_space<vmem>>) attributes {dimension_semantics = [#tpu.dimension_semantics<arbitrary>], iteration_bounds = array<i64: 4>, scalar_prefetch = 0 : i64, scratch_operands = 0 : i64, tpu.core_type = #tpu.core_type<tc>, window_params = [{transform_indices = @transform_0, window_bounds = array<i64: 1, 128, 16384>}, {pipeline_mode = #tpu.pipeline_mode<synchronous>, transform_indices = @transform_1, window_bounds = array<i64: 128, 128>}, {pipeline_mode = #tpu.pipeline_mode<synchronous>, transform_indices = @transform_2, window_bounds = array<i64: 1, 128>}, {pipeline_mode = #tpu.pipeline_mode<synchronous>, transform_indices = @transform_3, window_bounds = array<i64: 1, 128>}, {pipeline_mode = #tpu.pipeline_mode<synchronous>, transform_indices = @transform_4, window_bounds = array<i64: 1, 128>}, {pipeline_mode = #tpu.pipeline_mode<synchronous>, transform_indices = @transform_5, window_bounds = array<i64: 128, 128>}, {pipeline_mode = #tpu.pipeline_mode<synchronous>, transform_indices = @transform_6, window_bounds = array<i64: 1, 128>}, {pipeline_mode = #tpu.pipeline_mode<synchronous>, transform_indices = @transform_7, window_bounds = array<i64: 1, 128>}, {pipeline_mode = #tpu.pipeline_mode<synchronous>, transform_indices = @transform_8, window_bounds = array<i64: 1, 128>}, {pipeline_mode = #tpu.pipeline_mode<synchronous>, transform_indices = @transform_9, window_bounds = array<i64: 128, 128>}, {pipeline_mode = #tpu.pipeline_mode<synchronous>, transform_indices = @transform_10, window_bounds = array<i64: 128, 1>}, {pipeline_mode = #tpu.pipeline_mode<synchronous>, transform_indices = @transform_11, window_bounds = array<i64: 128, 1>}, {pipeline_mode = #tpu.pipeline_mode<synchronous>, transform_indices = @transform_12, window_bounds = array<i64: 128, 1>}, {transform_indices = @transform_13, window_bounds = array<i64: 1, 128, 16384>}]} {
    %get3A = arith.constant 0 : index
    %get3A_0 = arith.constant 0 : index
    %get3A_1 = arith.constant 0 : index
    %get3A_2 = vector.load %arg1[%get3A, %get3A_0, %get3A_1] : memref<1x128x16384xf32, #tpu.memory_space<vmem>>, vector<1x128x16384xf32>
    %get3A_3 = vector.shape_cast %get3A_2 : vector<1x128x16384xf32> to vector<128x16384xf32>
    %swap3A = arith.constant 0 : index
    %swap3A_4 = arith.constant 0 : index
    %swap3A_5 = arith.constant 0 : index
    %swap3A_6 = vector.load %arg14[%swap3A, %swap3A_4, %swap3A_5] : memref<1x128x16384xf32, #tpu.memory_space<vmem>>, vector<1x128x16384xf32>
    %swap3A_7 = vector.shape_cast %swap3A_6 : vector<1x128x16384xf32> to vector<128x16384xf32>
    %swap3A_8 = vector.shape_cast %get3A_3 : vector<128x16384xf32> to vector<1x128x16384xf32>
    tpu.vector_store %arg14[%swap3A, %swap3A_4, %swap3A_5], %swap3A_8 {strides = array<i32>} : memref<1x128x16384xf32, #tpu.memory_space<vmem>>, vector<1x128x16384xf32>,
    return
  }
  func.func @transform_0(%arg0: i32) -> (i32, i32, i32) {
    %c0_i32 = arith.constant 0 : i32
    %c0_i32_0 = arith.constant 0 : i32
    %c0_i32_1 = arith.constant 0 : i32
    return %arg0, %c0_i32, %c0_i32_0 : i32, i32, i32
  }
  func.func @transform_1(%arg0: i32) -> (i32, i32) {
    %c0_i32 = arith.constant 0 : i32
    %c0_i32_0 = arith.constant 0 : i32
    %c0_i32_1 = arith.constant 0 : i32
    return %c0_i32, %c0_i32_0 : i32, i32
  }
  func.func @transform_2(%arg0: i32) -> (i32, i32) {
    %c0_i32 = arith.constant 0 : i32
    %c0_i32_0 = arith.constant 0 : i32
    %c0_i32_1 = arith.constant 0 : i32
    return %c0_i32, %c0_i32_0 : i32, i32
  }
  func.func @transform_3(%arg0: i32) -> (i32, i32) {
    %c0_i32 = arith.constant 0 : i32
    %c0_i32_0 = arith.constant 0 : i32
    %c0_i32_1 = arith.constant 0 : i32
    return %c0_i32, %c0_i32_0 : i32, i32
  }
  func.func @transform_4(%arg0: i32) -> (i32, i32) {
    %c0_i32 = arith.constant 0 : i32
    %c0_i32_0 = arith.constant 0 : i32
    %c0_i32_1 = arith.constant 0 : i32
    return %c0_i32, %c0_i32_0 : i32, i32
  }
  func.func @transform_5(%arg0: i32) -> (i32, i32) {
    %c0_i32 = arith.constant 0 : i32
    %c0_i32_0 = arith.constant 0 : i32
    %c0_i32_1 = arith.constant 0 : i32
    return %c0_i32, %c0_i32_0 : i32, i32
  }
  func.func @transform_6(%arg0: i32) -> (i32, i32) {
    %c0_i32 = arith.constant 0 : i32
    %c0_i32_0 = arith.constant 0 : i32
    %c0_i32_1 = arith.constant 0 : i32
    return %c0_i32, %c0_i32_0 : i32, i32
  }
  func.func @transform_7(%arg0: i32) -> (i32, i32) {
    %c0_i32 = arith.constant 0 : i32
    %c0_i32_0 = arith.constant 0 : i32
    %c0_i32_1 = arith.constant 0 : i32
    return %c0_i32, %c0_i32_0 : i32, i32
  }
  func.func @transform_8(%arg0: i32) -> (i32, i32) {
    %c0_i32 = arith.constant 0 : i32
    %c0_i32_0 = arith.constant 0 : i32
    %c0_i32_1 = arith.constant 0 : i32
    return %c0_i32, %c0_i32_0 : i32, i32
  }
  func.func @transform_9(%arg0: i32) -> (i32, i32) {
    %c0_i32 = arith.constant 0 : i32
    %c0_i32_0 = arith.constant 0 : i32
    %c0_i32_1 = arith.constant 0 : i32
    return %c0_i32, %c0_i32_0 : i32, i32
  }
  func.func @transform_10(%arg0: i32) -> (i32, i32) {
    %c0_i32 = arith.constant 0 : i32
    %c0_i32_0 = arith.constant 0 : i32
    %c0_i32_1 = arith.constant 0 : i32
    return %c0_i32, %c0_i32_0 : i32, i32
  }
  func.func @transform_11(%arg0: i32) -> (i32, i32) {
    %c0_i32 = arith.constant 0 : i32
    %c0_i32_0 = arith.constant 0 : i32
    %c0_i32_1 = arith.constant 0 : i32
    return %c0_i32, %c0_i32_0 : i32, i32
  }
  func.func @transform_12(%arg0: i32) -> (i32, i32) {
    %c0_i32 = arith.constant 0 : i32
    %c0_i32_0 = arith.constant 0 : i32
    %c0_i32_1 = arith.constant 0 : i32
    return %c0_i32, %c0_i32_0 : i32, i32
  }
  func.func @transform_13(%arg0: i32) -> (i32, i32, i32) {
    %c0_i32 = arith.constant 0 : i32
    %c0_i32_0 = arith.constant 0 : i32
    %c0_i32_1 = arith.constant 0 : i32
    return %arg0, %c0_i32, %c0_i32_0 : i32, i32, i32
  }
}

</mosaic_0001>

<sc_bundles>
// kernel: sparse-core-data-format-call.cloned.1.call-start
scs
called_computation_lowered:
.L_overlay_start_0:
0x0: {  	s2 =	sld [smem:$0x3FD9]  }
0x1: {  	s3 =	sld [smem:$0x3FFE];
	_ =	sdelay $0x1  }
0x2: {  	s1 =	srdreg.scid  }
0x3: {  	s0 =	sand.u32 $0x1, s1  }
0x4: {  	s18 =	sshll.u32 s0, $0xA;
	s2 =	sadd.s32 s3, s2  }
0x5: {  	s2 =	sadd.s32 s2, s18  }
0x6: {  	[smem:$0x3FBB] =	sst s2  }
0x7: {  	_ = 	snop  }
0x8: {  	s2 =	sld [smem:$0x3FD0];
	(tm) =	ssettm $0x1  }
0x9: {  	s19 =	sld [smem:$0x3FFB];
	_ =	sdelay $0x3  }
0xa: {  	_ =	strace s19  }
0xb: {  	s3 =	sld [smem:$0x3FFC];
	_ =	sdelay $0x3  }
0xc: {  	_ =	strace s3  }
0xd: {  	s3 =	sld [smem:$0x3FFD];
	_ =	sdelay $0x3  }
0xe: {  	_ =	strace s3  }
0xf: {  	_ =	strace $0x8FFFFFFF  }
0x10: {  	s20 =	sld [smem:$0x3FDB];
	_ =	sdelay $0x1  }
0x11: {  	s4 =	simm.s32 $_scs_section_size  }
0x12: {  	s5 =	simm.s32 $_size__tile_overlayer_lowered;
	s6 =	simm.s32 $_tile_overlayer_lowered  }
0x13: {  	s23 =	simm.s32 $0x1BFF;
	s22 =	sshll.u32 s6, $0x1;
	s3 =	sadd.s32 s4, s20  }
0x14: {  	s7 =	simm.s32 $0x0;
	s21 =	sshll.u32 s5, $0x1;
	s5 =	sadd.s32 s22, s3  }
0x15: {  	[timem:s7], [sflag:s23] =	dma.local [hbm:s5], s21  }
0x16: {  	_ =	swait.ge [sflag:s23], s21  }
0x17: {  	s4 =	ssub.s32 $0x0, s21;
	[sflag:s23] =	ssyncset.done $0x0  }
0x18: {  	[sflag:s23] =	ssyncadd.s32 s4;
	_ =	sdelay $0x1  }
0x19: {  	s24 =	simm.s32 $0x1B8B  }
0x1a: {  	_ =	swait.ge [sflag:s24], $0x1  }
0x1b: {  	[sflag:s24] =	ssyncset.done $0x0  }
0x1c: {  	s26 =	simm.s32 $0x1B8E;
	s25 =	sld [smem:$0x3FFE];
	[sflag:s24] =	ssyncadd.s32 $0xFFFFFFFF  }
0x1d: {  	s27 =	simm.s32 $execute0_lowered;
	[smem:$0x3FD2] =	sst s26  }
0x1e: {  	s5 =	sshll.u32 s27, $0x1;
	_ =	strace $0x80000046;
	[dreg:$0x1] =	wrdreg $0xFFFFFFFF  }
0x1f: {  	s28 =	simm.s32 $_size_execute0_lowered;
	s3 =	sadd.s32 s3, s5;
	[dreg:$0x0] =	wrdreg $0x0  }
0x20: {  	s5 =	sshll.u32 s28, $0x1;
	[dreg:$0x2] =	wrdreg s3  }
0x21: {  	[dreg:$0x3] =	wrdreg s5  }
0x22: {  	[dreg:$0x4] =	wrdreg $0xC0  }
0x23: {  	_ =	task [dreg:s7], $0x5FFFF  }
0x24: {  	[dreg:$0x1] =	wrdreg $0xFFFFFFFF  }
0x25: {  	[dreg:$0x0] =	wrdreg $0x60  }
0x26: {  	[dreg:$0x2] =	wrdreg s25  }
0x27: {  	[dreg:$0x3] =	wrdreg s2  }
0x28: {  	[dreg:$0x4] =	wrdreg $0x9  }
0x29: {  	_ =	task.clear_ibuf [dreg:s7], $0x5FFFF;
	_ =	strace $0x90000046  }
0x2a: {  	s29 =	simm.s32 $0x9;
	_ =	strace $0x80000048  }
0x2b: {  	_ =	swait.ge [sflag:s29], $0x1  }
0x2c: {  	[sflag:s29] =	ssyncadd.s32 $0xFFFFFFFF  }
0x2d: {  	_ =	strace $0x90000048  }
0x2e: {  	_ =	sfence  }
0x2f: {  	s30 =	sld [smem:$0x0];
	_ =	sdelay $0x2  }
0x30: {  	s31 =	sshll.u32 s1, $0xD;
	s1 =	sshrl.u32 s1, $0x2  }
0x31: {  	s3 =	sand.u32 $0x4000, s31;
	s1 =	sadd.s32 s1, s30  }
0x32: {  	s0 =	sor.u32 s3, s0;
	s1 =	sshll.u32 s1, $0x11  }
0x33: {  	s0 =	sor.u32 s1, s0  }
0x34: {  	s0 =	sadd.s32 $0x8F2B, s0  }
0x35: {  	[sflag:s0] =	ssyncadd.remote.s32 $0x1  }
0x36: {  	_ =	sfence.sel $0xFFFF  }
0x37: {  	[dreg:$0x0] =	wrdreg $0xFFFFFFFF;
	(pc) =	sbr.abs _section_cstart, $3  }
0x38: {  	[dreg:$0x1] =	wrdreg $0xFFFFFFFF  }
0x39: {  	_ =	task.clear_ibuf [dreg:s7], $0x2FFFF;
	_ =	strace $0x9FFFFFFF  }
0x3a: {  	(tm) =	ssettm $0x7FFFFFFF  }
0x3b: {  	_ =	shalt  }
tec
execute0_lowered:
.L_overlay_start_1:
0x0: {  	(tag) =	ssettag $0x1  }
0x1: {  	s1 =	rddreg [dreg:$0x0]  }
0x2: {  	s2 =	rddreg [dreg:$0x1]  }
0x3: {  	s0 =	rddreg [dreg:$0x2];
	_ =	strace $0x80000047;
	s4 =	srdreg.scid  }
0x4: {  	s6 =	simm.s32 $0x2;
	s11 =	simm.s32 $0x0;
	p0 =	por $0x0, $0x0  }
.Ltmp0:
0x5: {  	s7 =	simm.s32 $0x4000;
	s12 =	simm.s32 $0x0;
	(pc) =	sbr.rel .LBB1_1-.Ltmp0, $4  }
0x6: {  	s9 =	simm.s32 $0x0;
	s3 =	sadd.s32 $0x1600, s1;
	s5 =	sshll.u32 s4, $0x4  }
0x7: {  	s1 =	stileid.u32;
	s4 =	simm.s32 $0x1;
	s5 =	sand.u32 $0x10, s5  }
0x8: {  	s8 =	simm.s32 $0x0;
	[sflag:s4] =	ssyncpa.u1 $0x0;
	s5 =	sor.u32 s1, s5  }
0x9: {  	[sflag:s6] =	ssyncpa.u1 $0x0;
	s6 =	simm.s32 $0x800;
	s10 =	smov.u32 s5  }
.LBB1_7:
0xa: {  	s13 =	sadd.s32 $0x10, s9  }
0xb: {  	s11 =	sadd.s32 $0x20, s10;
	s15 =	smov.u32 s10;
	p2 =	sgt.s32 s13, $0x7F  }
0xc: {  	p1 =	slt.u32 s8, $0x2;
	s15 =	smov.u32 @p2 s11  }
0xd: {  	s8 =	sadd.s32 $0x1, s8;
	s13 =	simm.s32 @p2 $0x0;
	p2 =	sgt.s32 s15, $0x3F  }
0xe: {  	s15 =	smov.u32 @p2 s5;
	p2 =	sne.s32 s8, $0x12  }
.Ltmp1:
0xf: {  	_ = 	snop;
	(pc) =	sbr.rel @!p2 .LBB1_8-.Ltmp1, $4  }
0x10: {  	s14 =	simm.s32 @!p1 $0x2  }
0x11: {  	s12 =	smov.u32 s10;
	_ =	swait.ge @!p1 [sflag:s14], $0x4000  }
0x12: {  	p0 =	por !p0, !p0;
	s11 =	smov.u32 s9;
	[sflag:s14] =	ssyncset.done @!p1 $0x0  }
0x13: {  	s9 =	smov.u32 s13;
	[sflag:s14] =	ssyncadd.s32 @!p1 $0xFFFFC000;
	s10 =	smov.u32 s15  }
.LBB1_1:
0x14: {  	p1 =	sgt.u32 s8, $0xF  }
0x15: {  	s13 =	sxor.u32 @!p1 $0xFFFFFFFF, s8;
	s14 =	sshll.u32 @!p1 s10, $0xE  }
0x16: {  	s15 =	sshll.u32 @!p1 s9, $0x7;
	s13 =	sshll.u32 @!p1 s13, $0xE;
	s14 =	sadd.s32 @!p1 s3, s14  }
0x17: {  	s13 =	sand.u32 @!p1 $0x4000, s13;
	s14 =	sadd.s32 @!p1 s15, s14;
	s15 =	simm.s32 @!p1 $0x0  }
0x18: {  	[tilespmem:s13], [sflag:$0x1] =	stream.linear.gather @!p1 [hbm4b:s14+s15], $0x4000, $0x38;
	[tilespmem:$0x10000] =	vst v63  }
0x19: {  	p1 =	seq.s32 s8, $0x0  }
0x1a: {  	p2 =	seq.s32 @!p1 s8, $0x11  }
0x1b: {  	p1 =	por p1, p2  }
.Ltmp2:
0x1c: {  	_ = 	snop;
	(pc) =	sbr.rel @p1 .LBB1_7-.Ltmp2, $1  }
0x1d: {  	_ =	sdelay $0x3  }
0x1e: {  	s13 =	simm.s32 $0x1;
	_ =	swait.ge [sflag:s4], $0x4000;
	s16 =	sshll.u32 s8, $0xE  }
0x1f: {  	s13 =	simm.s32 @!p0 $0x0;
	[sflag:s4] =	ssyncset.done $0x0;
	s31 =	sand.u32 $0x4000, s16  }
0x20: {  	s16 =	simm.s32 $0x0;
	s14 =	sshll.u32 s13, $0xE;
	[sflag:s4] =	ssyncadd.s32 $0xFFFFC000  }
0x21: {  	s13 =	sor.u32 $0x8040, s14;
	s15 =	sor.u32 $0x40, s14;
	s14 =	sor.u32 $0x8000, s31  }
.LBB1_3:
0x22: {  	v0 =	vmov s15;
	_ =	sdelay $0x3  }
0x23: {  	s18 =	simm.s32 $0x0  }
0x24: {  	v6 =	vld.idx.msk [tilespmem:v0+s18+$0x30 ss:$0x1], $0xffff  }
0x25: {  	v7 =	vld.idx.msk [tilespmem:v0+s18+$0xFFFFFFC0 ss:$0x1], $0xffff  }
0x26: {  	v5 =	vld.idx.msk [tilespmem:v0+s18+$0xFFFFFFD0 ss:$0x1], $0xffff  }
0x27: {  	v4 =	vld.idx.msk [tilespmem:v0+s18+$0xFFFFFFE0 ss:$0x1], $0xffff  }
0x28: {  	v3 =	vld.idx.msk [tilespmem:v0+s18+$0xFFFFFFF0 ss:$0x1], $0xffff  }
0x29: {  	v1 =	vld.idx.msk [tilespmem:v0+s18+$0x0 ss:$0x1], $0xffff  }
0x2a: {  	v2 =	vld.idx.msk [tilespmem:v0+s18+$0x10 ss:$0x1], $0xffff;
	[tilespmem:s13+$0x30] =	vst v6  }
0x2b: {  	s17 =	simm.s32 $0x80;
	s19 =	simm.s32 $0x400;
	[tilespmem:s13+$0xFFFFFFC0] =	vst v7;
	v6 =	vld.idx.msk [tilespmem:v0+s18+$0x20 ss:$0x1], $0xffff;
	s18 =	smov.u32 s13  }
.LBB1_4:
0x2c: {  	p1 =	sne.s32 s19, $0xE00;
	v7 =	vld.idx.msk [tilespmem:v0+s17+$0x30 ss:$0x1], $0xffff;
	[tilespmem:s18+$0xFFFFFFD0] =	vst v5  }
0x2d: {  	v8 =	vld.idx.msk [tilespmem:v0+s17+$0xFFFFFFC0 ss:$0x1], $0xffff;
	[tilespmem:s18+$0xFFFFFFE0] =	vst v4  }
0x2e: {  	v5 =	vld.idx.msk [tilespmem:v0+s17+$0xFFFFFFD0 ss:$0x1], $0xffff;
	[tilespmem:s18+$0xFFFFFFF0] =	vst v3  }
.Ltmp3:
0x2f: {  	v4 =	vld.idx.msk [tilespmem:v0+s17+$0xFFFFFFE0 ss:$0x1], $0xffff;
	[tilespmem:s18+$0x0] =	vst v1;
	(pc) =	sbr.rel @p1 .LBB1_4-.Ltmp3, $4  }
0x30: {  	v3 =	vld.idx.msk [tilespmem:v0+s17+$0xFFFFFFF0 ss:$0x1], $0xffff;
	[tilespmem:s18+$0x10] =	vst v2  }
0x31: {  	v1 =	vld.idx.msk [tilespmem:v0+s17+$0x0 ss:$0x1], $0xffff;
	[tilespmem:s18+$0x20] =	vst v6;
	s18 =	sadd.s32 $0x800, s18  }
0x32: {  	v2 =	vld.idx.msk [tilespmem:v0+s17+$0x10 ss:$0x1], $0xffff;
	[tilespmem:s18+$0x30] =	vst v7  }
0x33: {  	[tilespmem:s18+$0xFFFFFFC0] =	vst v8;
	v6 =	vld.idx.msk [tilespmem:v0+s17+$0x20 ss:$0x1], $0xffff;
	s17 =	sshra.s32 s19, $0x2;
	s19 =	sadd.s32 $0x200, s19  }
0x34: {  	_ =	sdelay $0x2  }
0x35: {  	[tilespmem:s18+$0xFFFFFFD0] =	vst v5  }
0x36: {  	v56 =	vld.idx.msk [tilespmem:v0+s17+$0x30 ss:$0x1], $0xffff;
	[tilespmem:s18+$0xFFFFFFE0] =	vst v4  }
0x37: {  	v57 =	vld.idx.msk [tilespmem:v0+s17+$0xFFFFFFC0 ss:$0x1], $0xffff;
	[tilespmem:s18+$0xFFFFFFF0] =	vst v3  }
0x38: {  	v58 =	vld.idx.msk [tilespmem:v0+s17+$0xFFFFFFD0 ss:$0x1], $0xffff;
	[tilespmem:s18+$0x0] =	vst v1  }
0x39: {  	v59 =	vld.idx.msk [tilespmem:v0+s17+$0xFFFFFFE0 ss:$0x1], $0xffff;
	[tilespmem:s18+$0x10] =	vst v2  }
0x3a: {  	v60 =	vld.idx.msk [tilespmem:v0+s17+$0xFFFFFFF0 ss:$0x1], $0xffff;
	s31 =	sadd.s32 $0x800, s18;
	[tilespmem:s18+$0x20] =	vst v6  }
0x3b: {  	v61 =	vld.idx.msk [tilespmem:v0+s17+$0x0 ss:$0x1], $0xffff;
	[tilespmem:s31+$0x30] =	vst v56  }
0x3c: {  	v62 =	vld.idx.msk [tilespmem:v0+s17+$0x10 ss:$0x1], $0xffff;
	s16 =	sadd.s32 $0x1, s16;
	[tilespmem:s31+$0xFFFFFFC0] =	vst v57  }
0x3d: {  	v63 =	vld.idx.msk [tilespmem:v0+s17+$0x20 ss:$0x1], $0xffff;
	p1 =	sne.s32 s16, $0x10;
	[tilespmem:s31+$0xFFFFFFD0] =	vst v58  }
.Ltmp4:
0x3e: {  	[tilespmem:s31+$0xFFFFFFE0] =	vst v59;
	(pc) =	sbr.rel @p1 .LBB1_3-.Ltmp4, $4  }
0x3f: {  	[tilespmem:s31+$0xFFFFFFF0] =	vst v60  }
0x40: {  	[tilespmem:s31+$0x0] =	vst v61  }
0x41: {  	[tilespmem:s31+$0x10] =	vst v62  }
0x42: {  	s13 =	sadd.s32 $0x80, s13;
	s15 =	sadd.s32 $0x400, s15;
	[tilespmem:s31+$0x20] =	vst v63  }
.Ltmp5:
0x43: {  	(pc) =	sbr.rel .LBB1_7-.Ltmp5, $4  }
0x44: {  	s12 =	sshll.u32 s12, $0xE;
	s11 =	sshll.u32 s11, $0x4  }
0x45: {  	s11 =	sand.u32 $0x7F0, s11;
	s12 =	sadd.s32 s2, s12  }
0x46: {  	s11 =	sadd.s32 s11, s12  }
0x47: {  	[hbm4b:s11+s6] =	stream.strided.scatter [tilespmem:s14], [sflag:$0x2], $0x4000, s7, s6, $0x38;
	[tilespmem:$0x10000] =	vst v63  }
.LBB1_8:
0x48: {  	_ =	sfence.sel $0x180000  }
0x49: {  	s2 =	simm.s32 $0x1;
	[bflag:$0x0] =	sbarrier.arrive $0xFFFF  }
0x4a: {  	s31 =	simm.s32 $0x2;
	[sflag:s2] =	ssyncpa.u1 $0x1  }
0x4b: {  	[sflag:s31] =	ssyncpa.u1 $0x1  }
0x4c: {  	p0 =	sne.s32 s1, $0x0;
	_ =	strace $0x90000047  }
0x4d: {  	s0 =	sadd.s32 @!p0 $0x100000, s0;
	[bflag:$0x2] =	sbarrier.arrive $0xFFFF  }
0x4e: {  	[sflag:s0] =	ssyncadd.tile.s32 @!p0 $0x1;
	_ =	shalt  }
.Lfunc_end1:
_tile_overlayer_lowered:
.L_overlay_start_2:
0x4f: {  	(tag) =	ssettag $0x2  }
0x50: {  	s0 =	rddreg [dreg:$0x0];
	s2 =	stileid.u32  }
0x51: {  	s1 =	rddreg [dreg:$0x1];
	p0 =	sne.s32 s2, $0x0  }
0x52: {  	s3 =	rddreg [dreg:$0x2];
	[bflag:$0x3] =	sbarrier.arrive $0xFFFF;
	s2 =	simm.s32 @!p0 $0x1C01  }
0x53: {  	[timem:s3], [sflag:s2] =	dma.local @!p0 [hbm:s0], s1  }
0x54: {  	s0 =	simm.s32 @!p0 $0x1  }
0x55: {  	_ =	swait.ge @!p0 [sflag:s0], s1  }
0x56: {  	s1 =	ssub.s32 @!p0 $0x0, s1;
	[sflag:s0] =	ssyncset.done @!p0 $0x0  }
0x57: {  	[sflag:s0] =	ssyncadd.s32 @!p0 s1  }
0x58: {  	[bflag:$0x3] =	sbarrier.arrive $0xFFFF  }
0x59: {  	_ =	shalt  }

</sc_bundles>
